<compile_context>
chip_gen: v7x
topology: tpu7x:2x2x1
jax: 0.10.2.dev20260603
libtpu: 0.0.44.dev20260713+nightly
codegen_flags: <defaults>
</compile_context>

<pallas_src>
import jax
import jax.numpy as jnp
from jax import lax
from jax.experimental import pallas as pl
from jax.experimental.pallas import tpu as pltpu
from jax.experimental.pallas import tpu_sc as plsc

B = 4096
L = 100
LP = 128
E = 64
NC = 2
NS = 16
NW = NC * NS
RPW = B // NW
CH = 8
NCH = RPW // CH


def _sc_body(inp_hbm, emb_hbm, out_hbm, emb_v, inp_v, out_v, sem):
    c = lax.axis_index("c")
    s = lax.axis_index("s")
    wid = s * NC + c
    base = wid * RPW

    pltpu.sync_copy(emb_hbm, emb_v)
    pltpu.sync_copy(inp_hbm.at[pl.ds(base, RPW)], inp_v)

    def chunk_body(ci, carry):
        slot = lax.rem(ci, 2)

        @pl.when(ci >= 2)
        def _():
            pltpu.make_async_copy(
                out_v.at[slot], out_hbm.at[pl.ds(base, CH)], sem
            ).wait()

        def l_body(l, carry2):
            col = inp_v[pl.ds(ci * CH, CH), pl.ds(l, 1)]
            row = emb_v[pl.ds(l * E, E)]
            prod = col * row
            out_v[slot, :, :, pl.ds(l * E, E)] = prod.reshape(CH, 1, E)
            return carry2

        lax.fori_loop(0, L, l_body, 0)
        pltpu.make_async_copy(
            out_v.at[slot], out_hbm.at[pl.ds(base + ci * CH, CH)], sem
        ).start()
        return carry

    lax.fori_loop(0, NCH, chunk_body, 0)
    pltpu.make_async_copy(out_v.at[0], out_hbm.at[pl.ds(base, CH)], sem).wait()
    pltpu.make_async_copy(out_v.at[1], out_hbm.at[pl.ds(base, CH)], sem).wait()


def kernel(input, emb_weight):
    inp_p = jnp.concatenate(
        [input, jnp.zeros((B, LP - L), jnp.float32)], axis=1
    )
    emb_flat = emb_weight.reshape(L * E)
    mesh = plsc.VectorSubcoreMesh(core_axis_name="c", subcore_axis_name="s")
    run = pl.kernel(
        _sc_body,
        mesh=mesh,
        compiler_params=pltpu.CompilerParams(use_tc_tiling_on_sc=False),
        out_type=jax.ShapeDtypeStruct((B, 1, L * E), jnp.float32),
        scratch_types=[
            pltpu.VMEM((L * E,), jnp.float32),
            pltpu.VMEM((RPW, LP), jnp.float32),
            pltpu.VMEM((2, CH, 1, L * E), jnp.float32),
            pltpu.SemaphoreType.DMA,
        ],
    )
    return run(inp_p, emb_flat)

# --- scband reference (transcript-rebuilt; emitter-appended) ---
"""Pipeline reference for scband-chemical-embedding-31774168056416 (READ-ONLY COPY).

The authoritative reference and input builder live on the scoring server;
editing this copy changes nothing except your own understanding.
"""

import jax, jax.numpy as jnp
import numpy as np

LENGTH = 100
EMBEDDING_SIZE = 64
BATCH = 4096


def setup_inputs(seed: int = 0) -> dict:
    key = jax.random.key(seed)
    k1, k2 = jax.random.split(key)
    inp = jax.random.normal(k1, (BATCH, LENGTH), dtype=jnp.float32)
    emb_weight = jax.random.normal(k2, (LENGTH, EMBEDDING_SIZE), dtype=jnp.float32)
    return {"input": inp, "emb_weight": emb_weight}


def reference(input, emb_weight):
    B = input.shape[0]
    L, E = emb_weight.shape
    # index = tile(arange(L), (B, 1)) -> gather every row of the embedding table per batch element
    index = jnp.tile(jnp.arange(L), (B, 1))
    embed = jnp.take(emb_weight, index, axis=0).reshape(-1)  # [B*L*E]
    # trans[i, i*E : (i+1)*E] = 1 ; equivalent to kron(eye(L), ones(1, E))
    trans = jnp.kron(jnp.eye(L, dtype=jnp.float32), jnp.ones((1, E), dtype=jnp.float32))  # [L, L*E]
    expanded_data = jnp.einsum('ij,jk->ik', input, trans).reshape(-1)  # [B*L*E]
    result = (expanded_data * embed).reshape(B, 1, -1)  # [B, 1, L*E]
    return result

if __name__ == "__main__":
    import jax
    _d = setup_inputs()
    print(jax.jit(kernel)(*tuple(_d.values())))

</pallas_src>

<mosaic_0001>
#map = affine_map<(d0, d1) -> (0, 0)>
#map1 = affine_map<(d0, d1) -> (0)>
#map2 = affine_map<(d0, d1) -> (0, 0, 0)>
module attributes {stable_mosaic.version = 14 : i64} {
  func.func @_sc_body(%arg0: i32, %arg1: i32, %arg2: memref<4096x128xf32, #tpu.memory_space<hbm>>, %arg3: memref<6400xf32, #tpu.memory_space<hbm>>, %arg4: memref<4096x1x6400xf32, #tpu.memory_space<hbm>>, %arg5: memref<6400xf32, #tpu.memory_space<vmem>>, %arg6: memref<128x128xf32, #tpu.memory_space<vmem>>, %arg7: memref<2x8x1x6400xf32, #tpu.memory_space<vmem>>, %arg8: memref<!tpu.dma_semaphore, #tpu.memory_space<semaphore_mem>>) attributes {dimension_semantics = [#tpu.dimension_semantics<core_parallel>, #tpu.dimension_semantics<subcore_parallel>], iteration_bounds = array<i64: 2, 16>, scalar_prefetch = 0 : i64, scratch_operands = 4 : i64, tpu.core_type = #tpu.core_type<sc_vector_subcore>, window_params = [{transform_indices = #map}, {transform_indices = #map1}, {transform_indices = #map2}]} {
    %mul3A = arith.constant 2 : i32
    %mul3A_0 = arith.muli %arg1, %mul3A : i32
    %add3A = arith.addi %mul3A_0, %arg0 : i32
    %mul3A_1 = arith.constant 128 : i32
    %mul3A_2 = arith.muli %add3A, %mul3A_1 : i32
    "tpu.region"() ({
      %run_scoped3A = tpu.sem_alloc : memref<!tpu.dma_semaphore, #tpu.memory_space<semaphore_mem>>
      tpu.enqueue_dma source(%arg3 : memref<6400xf32, #tpu.memory_space<hbm>>) target(%arg5 : memref<6400xf32, #tpu.memory_space<vmem>>) target_semaphore(%run_scoped3A : memref<!tpu.dma_semaphore, #tpu.memory_space<semaphore_mem>>)
      tpu.wait_dma2 semaphore(%run_scoped3A : memref<!tpu.dma_semaphore, #tpu.memory_space<semaphore_mem>>) src(%arg3 : memref<6400xf32, #tpu.memory_space<hbm>>) dst(%arg5 : memref<6400xf32, #tpu.memory_space<vmem>>)
      tpu.yield
    }) : () -> ()
    "tpu.region"() ({
      %run_scoped3A = tpu.sem_alloc : memref<!tpu.dma_semaphore, #tpu.memory_space<semaphore_mem>>
      %dma_start3A = arith.constant 0 : i32
      %dma_start3A_41 = tpu.memref_slice %arg2[%mul3A_2, %dma_start3A] : memref<4096x128xf32, #tpu.memory_space<hbm>> -> memref<128x128xf32, #tpu.memory_space<hbm>>
      %dma_start3A_42 = arith.constant 0 : i32
      %dma_start3A_43 = tpu.memref_slice %arg2[%mul3A_2, %dma_start3A_42] : memref<4096x128xf32, #tpu.memory_space<hbm>> -> memref<128x128xf32, #tpu.memory_space<hbm>>
      tpu.enqueue_dma source(%dma_start3A_43 : memref<128x128xf32, #tpu.memory_space<hbm>>) target(%arg6 : memref<128x128xf32, #tpu.memory_space<vmem>>) target_semaphore(%run_scoped3A : memref<!tpu.dma_semaphore, #tpu.memory_space<semaphore_mem>>)
      %dma_wait3A_44 = arith.constant 0 : i32
      %dma_wait3A_45 = tpu.memref_slice %arg2[%mul3A_2, %dma_wait3A_44] : memref<4096x128xf32, #tpu.memory_space<hbm>> -> memref<128x128xf32, #tpu.memory_space<hbm>>
      %dma_wait3A_46 = arith.constant 0 : i32
      %dma_wait3A_47 = tpu.memref_slice %arg2[%mul3A_2, %dma_wait3A_46] : memref<4096x128xf32, #tpu.memory_space<hbm>> -> memref<128x128xf32, #tpu.memory_space<hbm>>
      tpu.wait_dma2 semaphore(%run_scoped3A : memref<!tpu.dma_semaphore, #tpu.memory_space<semaphore_mem>>) src(%dma_wait3A_47 : memref<128x128xf32, #tpu.memory_space<hbm>>) dst(%arg6 : memref<128x128xf32, #tpu.memory_space<vmem>>)
      tpu.yield
    }) : () -> ()
    %scan3A = arith.constant 0 : i32
    %scan3A_3 = arith.constant 0 : i32
    %scan3A_4 = arith.constant 16 : i32
    %scan3A_5 = arith.addi %scan3A_3, %scan3A_4 : i32
    %scan3A_6 = arith.constant 1 : i32
    scf.for %scan3A_41 = %scan3A_3 to %scan3A_5 step %scan3A_6  : i32 {
      %rem3A = arith.constant 2 : i32
      %rem3A_42 = arith.remsi %scan3A_41, %rem3A : i32
      %ge3A = arith.constant 2 : i32
      %ge3A_43 = arith.cmpi sge, %scan3A_41, %ge3A : i32
      %convert_element_type3A = arith.extui %ge3A_43 : i1 to i32
      %cond3A = arith.constant 0 : i32
      %cond3A_44 = arith.cmpi ne, %convert_element_type3A, %cond3A : i32
      scf.if %cond3A_44 {
        %dma_wait3A_69 = arith.constant 0 : i32
        %dma_wait3A_70 = arith.constant 0 : i32
        %dma_wait3A_71 = arith.constant 0 : i32
        %dma_wait3A_72 = tpu.memref_slice %arg7[%rem3A_42, %dma_wait3A_69, %dma_wait3A_70, %dma_wait3A_71] : memref<2x8x1x6400xf32, #tpu.memory_space<vmem>> -> memref<1x8x1x6400xf32, #tpu.memory_space<vmem>>
        %dma_wait3A_73 = tpu.memref_squeeze %dma_wait3A_72 : memref<1x8x1x6400xf32, #tpu.memory_space<vmem>> -> memref<8x1x6400xf32, #tpu.memory_space<vmem>>
        %dma_wait3A_74 = arith.constant 0 : i32
        %dma_wait3A_75 = arith.constant 0 : i32
        %dma_wait3A_76 = tpu.memref_slice %arg4[%mul3A_2, %dma_wait3A_74, %dma_wait3A_75] : memref<4096x1x6400xf32, #tpu.memory_space<hbm>> -> memref<8x1x6400xf32, #tpu.memory_space<hbm>>
        %dma_wait3A_77 = arith.constant 0 : i32
        %dma_wait3A_78 = arith.constant 0 : i32
        %dma_wait3A_79 = tpu.memref_slice %arg4[%mul3A_2, %dma_wait3A_77, %dma_wait3A_78] : memref<4096x1x6400xf32, #tpu.memory_space<hbm>> -> memref<8x1x6400xf32, #tpu.memory_space<hbm>>
        %dma_wait3A_80 = arith.constant 0 : i32
        %dma_wait3A_81 = arith.constant 0 : i32
        %dma_wait3A_82 = arith.constant 0 : i32
        %dma_wait3A_83 = tpu.memref_slice %arg7[%rem3A_42, %dma_wait3A_80, %dma_wait3A_81, %dma_wait3A_82] : memref<2x8x1x6400xf32, #tpu.memory_space<vmem>> -> memref<1x8x1x6400xf32, #tpu.memory_space<vmem>>
        %dma_wait3A_84 = tpu.memref_squeeze %dma_wait3A_83 : memref<1x8x1x6400xf32, #tpu.memory_space<vmem>> -> memref<8x1x6400xf32, #tpu.memory_space<vmem>>
        tpu.wait_dma2 semaphore(%arg8 : memref<!tpu.dma_semaphore, #tpu.memory_space<semaphore_mem>>) src(%dma_wait3A_84 : memref<8x1x6400xf32, #tpu.memory_space<vmem>>) dst(%dma_wait3A_79 : memref<8x1x6400xf32, #tpu.memory_space<hbm>>)
      } else {
      }
      %scan3A_45 = arith.constant 0 : i32
      %scan3A_46 = arith.constant 0 : i32
      %scan3A_47 = arith.constant 100 : i32
      %scan3A_48 = arith.addi %scan3A_46, %scan3A_47 : i32
      %scan3A_49 = arith.constant 1 : i32
      scf.for %scan3A_69 = %scan3A_46 to %scan3A_48 step %scan3A_49  : i32 {
        %mul3A_70 = arith.constant 8 : i32
        %mul3A_71 = arith.muli %scan3A_41, %mul3A_70 : i32
        %get3A = arith.index_cast %mul3A_71 : i32 to index
        %get3A_72 = arith.index_cast %scan3A_69 : i32 to index
        %get3A_73 = tpu.vector_load %arg6[%get3A, %get3A_72] {strides = array<i32>} : memref<128x128xf32, #tpu.memory_space<vmem>>, vector<8x1xf32>,
        %get3A_74 = vector.shape_cast %get3A_73 : vector<8x1xf32> to vector<8x1xf32>
        %mul3A_75 = arith.constant 64 : i32
        %mul3A_76 = arith.muli %scan3A_69, %mul3A_75 : i32
        %get3A_77 = arith.index_cast %mul3A_76 : i32 to index
        %get3A_78 = tpu.vector_load %arg5[%get3A_77] {strides = array<i32>} : memref<6400xf32, #tpu.memory_space<vmem>>, vector<64xf32>,
        %get3A_79 = vector.shape_cast %get3A_78 : vector<64xf32> to vector<64xf32>
        %broadcast_in_dim3A = vector.shape_cast %get3A_79 : vector<64xf32> to vector<1x64xf32>
        %mul3A_80 = vector.broadcast %get3A_74 : vector<8x1xf32> to vector<8x64xf32>
        %mul3A_81 = vector.broadcast %broadcast_in_dim3A : vector<1x64xf32> to vector<8x64xf32>
        %mul3A_82 = arith.mulf %mul3A_80, %mul3A_81 : vector<8x64xf32>
        %reshape3A = vector.shape_cast %mul3A_82 : vector<8x64xf32> to vector<8x1x64xf32>
        %mul3A_83 = arith.constant 64 : i32
        %mul3A_84 = arith.muli %scan3A_69, %mul3A_83 : i32
        %swap3A = arith.index_cast %rem3A_42 : i32 to index
        %swap3A_85 = arith.constant 0 : index
        %swap3A_86 = arith.constant 0 : index
        %swap3A_87 = arith.index_cast %mul3A_84 : i32 to index
        %swap3A_88 = tpu.vector_load %arg7[%swap3A, %swap3A_85, %swap3A_86, %swap3A_87] {strides = array<i32>} : memref<2x8x1x6400xf32, #tpu.memory_space<vmem>>, vector<1x8x1x64xf32>,
        %swap3A_89 = vector.shape_cast %swap3A_88 : vector<1x8x1x64xf32> to vector<8x1x64xf32>
        %swap3A_90 = vector.shape_cast %reshape3A : vector<8x1x64xf32> to vector<1x8x1x64xf32>
        tpu.vector_store %arg7[%swap3A, %swap3A_85, %swap3A_86, %swap3A_87], %swap3A_90 {strides = array<i32>} : memref<2x8x1x6400xf32, #tpu.memory_space<vmem>>, vector<1x8x1x64xf32>,
      }
      %scan3A_50 = arith.constant 100 : i32
      %mul3A_51 = arith.constant 8 : i32
      %mul3A_52 = arith.muli %scan3A_41, %mul3A_51 : i32
      %add3A_53 = arith.addi %mul3A_2, %mul3A_52 : i32
      %dma_start3A = arith.constant 0 : i32
      %dma_start3A_54 = arith.constant 0 : i32
      %dma_start3A_55 = arith.constant 0 : i32
      %dma_start3A_56 = tpu.memref_slice %arg7[%rem3A_42, %dma_start3A, %dma_start3A_54, %dma_start3A_55] : memref<2x8x1x6400xf32, #tpu.memory_space<vmem>> -> memref<1x8x1x6400xf32, #tpu.memory_space<vmem>>
      %dma_start3A_57 = tpu.memref_squeeze %dma_start3A_56 : memref<1x8x1x6400xf32, #tpu.memory_space<vmem>> -> memref<8x1x6400xf32, #tpu.memory_space<vmem>>
      %dma_start3A_58 = arith.constant 0 : i32
      %dma_start3A_59 = arith.constant 0 : i32
      %dma_start3A_60 = tpu.memref_slice %arg4[%add3A_53, %dma_start3A_58, %dma_start3A_59] : memref<4096x1x6400xf32, #tpu.memory_space<hbm>> -> memref<8x1x6400xf32, #tpu.memory_space<hbm>>
      %dma_start3A_61 = arith.constant 0 : i32
      %dma_start3A_62 = arith.constant 0 : i32
      %dma_start3A_63 = tpu.memref_slice %arg4[%add3A_53, %dma_start3A_61, %dma_start3A_62] : memref<4096x1x6400xf32, #tpu.memory_space<hbm>> -> memref<8x1x6400xf32, #tpu.memory_space<hbm>>
      %dma_start3A_64 = arith.constant 0 : i32
      %dma_start3A_65 = arith.constant 0 : i32
      %dma_start3A_66 = arith.constant 0 : i32
      %dma_start3A_67 = tpu.memref_slice %arg7[%rem3A_42, %dma_start3A_64, %dma_start3A_65, %dma_start3A_66] : memref<2x8x1x6400xf32, #tpu.memory_space<vmem>> -> memref<1x8x1x6400xf32, #tpu.memory_space<vmem>>
      %dma_start3A_68 = tpu.memref_squeeze %dma_start3A_67 : memref<1x8x1x6400xf32, #tpu.memory_space<vmem>> -> memref<8x1x6400xf32, #tpu.memory_space<vmem>>
      tpu.enqueue_dma source(%dma_start3A_68 : memref<8x1x6400xf32, #tpu.memory_space<vmem>>) target(%dma_start3A_63 : memref<8x1x6400xf32, #tpu.memory_space<hbm>>) target_semaphore(%arg8 : memref<!tpu.dma_semaphore, #tpu.memory_space<semaphore_mem>>)
    }
    %scan3A_7 = arith.constant 16 : i32
    %dma_wait3A = arith.constant 0 : i32
    %dma_wait3A_8 = arith.constant 0 : i32
    %dma_wait3A_9 = arith.constant 0 : i32
    %dma_wait3A_10 = arith.constant 0 : i32
    %dma_wait3A_11 = tpu.memref_slice %arg7[%dma_wait3A, %dma_wait3A_8, %dma_wait3A_9, %dma_wait3A_10] : memref<2x8x1x6400xf32, #tpu.memory_space<vmem>> -> memref<1x8x1x6400xf32, #tpu.memory_space<vmem>>
    %dma_wait3A_12 = tpu.memref_squeeze %dma_wait3A_11 : memref<1x8x1x6400xf32, #tpu.memory_space<vmem>> -> memref<8x1x6400xf32, #tpu.memory_space<vmem>>
    %dma_wait3A_13 = arith.constant 0 : i32
    %dma_wait3A_14 = arith.constant 0 : i32
    %dma_wait3A_15 = tpu.memref_slice %arg4[%mul3A_2, %dma_wait3A_13, %dma_wait3A_14] : memref<4096x1x6400xf32, #tpu.memory_space<hbm>> -> memref<8x1x6400xf32, #tpu.memory_space<hbm>>
    %dma_wait3A_16 = arith.constant 0 : i32
    %dma_wait3A_17 = arith.constant 0 : i32
    %dma_wait3A_18 = tpu.memref_slice %arg4[%mul3A_2, %dma_wait3A_16, %dma_wait3A_17] : memref<4096x1x6400xf32, #tpu.memory_space<hbm>> -> memref<8x1x6400xf32, #tpu.memory_space<hbm>>
    %dma_wait3A_19 = arith.constant 0 : i32
    %dma_wait3A_20 = arith.constant 0 : i32
    %dma_wait3A_21 = arith.constant 0 : i32
    %dma_wait3A_22 = tpu.memref_slice %arg7[%dma_wait3A, %dma_wait3A_19, %dma_wait3A_20, %dma_wait3A_21] : memref<2x8x1x6400xf32, #tpu.memory_space<vmem>> -> memref<1x8x1x6400xf32, #tpu.memory_space<vmem>>
    %dma_wait3A_23 = tpu.memref_squeeze %dma_wait3A_22 : memref<1x8x1x6400xf32, #tpu.memory_space<vmem>> -> memref<8x1x6400xf32, #tpu.memory_space<vmem>>
    tpu.wait_dma2 semaphore(%arg8 : memref<!tpu.dma_semaphore, #tpu.memory_space<semaphore_mem>>) src(%dma_wait3A_23 : memref<8x1x6400xf32, #tpu.memory_space<vmem>>) dst(%dma_wait3A_18 : memref<8x1x6400xf32, #tpu.memory_space<hbm>>)
    %dma_wait3A_24 = arith.constant 1 : i32
    %dma_wait3A_25 = arith.constant 0 : i32
    %dma_wait3A_26 = arith.constant 0 : i32
    %dma_wait3A_27 = arith.constant 0 : i32
    %dma_wait3A_28 = tpu.memref_slice %arg7[%dma_wait3A_24, %dma_wait3A_25, %dma_wait3A_26, %dma_wait3A_27] : memref<2x8x1x6400xf32, #tpu.memory_space<vmem>> -> memref<1x8x1x6400xf32, #tpu.memory_space<vmem>>
    %dma_wait3A_29 = tpu.memref_squeeze %dma_wait3A_28 : memref<1x8x1x6400xf32, #tpu.memory_space<vmem>> -> memref<8x1x6400xf32, #tpu.memory_space<vmem>>
    %dma_wait3A_30 = arith.constant 0 : i32
    %dma_wait3A_31 = arith.constant 0 : i32
    %dma_wait3A_32 = tpu.memref_slice %arg4[%mul3A_2, %dma_wait3A_30, %dma_wait3A_31] : memref<4096x1x6400xf32, #tpu.memory_space<hbm>> -> memref<8x1x6400xf32, #tpu.memory_space<hbm>>
    %dma_wait3A_33 = arith.constant 0 : i32
    %dma_wait3A_34 = arith.constant 0 : i32
    %dma_wait3A_35 = tpu.memref_slice %arg4[%mul3A_2, %dma_wait3A_33, %dma_wait3A_34] : memref<4096x1x6400xf32, #tpu.memory_space<hbm>> -> memref<8x1x6400xf32, #tpu.memory_space<hbm>>
    %dma_wait3A_36 = arith.constant 0 : i32
    %dma_wait3A_37 = arith.constant 0 : i32
    %dma_wait3A_38 = arith.constant 0 : i32
    %dma_wait3A_39 = tpu.memref_slice %arg7[%dma_wait3A_24, %dma_wait3A_36, %dma_wait3A_37, %dma_wait3A_38] : memref<2x8x1x6400xf32, #tpu.memory_space<vmem>> -> memref<1x8x1x6400xf32, #tpu.memory_space<vmem>>
    %dma_wait3A_40 = tpu.memref_squeeze %dma_wait3A_39 : memref<1x8x1x6400xf32, #tpu.memory_space<vmem>> -> memref<8x1x6400xf32, #tpu.memory_space<vmem>>
    tpu.wait_dma2 semaphore(%arg8 : memref<!tpu.dma_semaphore, #tpu.memory_space<semaphore_mem>>) src(%dma_wait3A_40 : memref<8x1x6400xf32, #tpu.memory_space<vmem>>) dst(%dma_wait3A_35 : memref<8x1x6400xf32, #tpu.memory_space<hbm>>)
    return
  }
}

</mosaic_0001>

<sc_bundles>
// kernel: kernel.3.cloned.1.call-start
scs
__scs_entry_jumppad:
0x0: {  	(pc) =	sbr.rel $0x88, $3  }
0x1: {  	(tag) =	ssettag $0x0;
	lr =	simm.s32 $0x1  }
0x2: {  	[smem:$0x3F9F] =	sst lr;
	_ =	strace $0xD0000000  }
0x3: {  	_ = 	snop  }
0x4: {  	_ = 	snop  }
0x5: {  	_ = 	snop  }
0x6: {  	_ = 	snop  }
0x7: {  	_ = 	snop  }
__scs_overlays_trampoline_lowered:
0x8: {  	[smem:$0x3FAE] =	sst s0  }
0x9: {  	[smem:$0x3FAF] =	sst s1  }
0xa: {  	[smem:$0x3FB0] =	sst s2  }
0xb: {  	[smem:$0x3FB1] =	sst s3  }
0xc: {  	[smem:$0x3FB2] =	sst s4  }
0xd: {  	[smem:$0x3FB3] =	sst s5  }
0xe: {  	[smem:$0x3FB4] =	sst s6  }
0xf: {  	[smem:$0x3FB5] =	sst s7  }
0x10: {  	[smem:$0x3FB6] =	sst s8  }
0x11: {  	[smem:$0x3FB7] =	sst s9;
	s0 =	simm.s32 @!p0 $0x0  }
0x12: {  	s1 =	sld [smem:$0x3F9D];
	s0 =	simm.s32 @p0 $0x1  }
0x13: {  	[smem:$0x3FB8] =	sst s0;
	s0 =	simm.s32 @!p1 $0x0  }
0x14: {  	s2 =	sld [smem:$0x3F9C];
	s0 =	simm.s32 @p1 $0x1  }
0x15: {  	[smem:$0x3FB9] =	sst s0;
	s0 =	simm.s32 @!p2 $0x0  }
0x16: {  	s3 =	sld [smem:$0x3FDB];
	s0 =	simm.s32 @p2 $0x1  }
0x17: {  	s4 =	simm.s32 $0x1BF5;
	[smem:$0x3FBB] =	sst s0  }
0x18: {  	s0 =	sld [smem:$0x3F9E];
	_ =	swait.ge [sflag:s4], $0x0  }
0x19: {  	s7 =	sld [smem:$0x3F9F]  }
0x1a: {  	s8 =	sadd.s32 $0xFFFFE003, lr  }
0x1b: {  	s9 =	sadd.s32 $0xFFFFFEF7, lr;
	s5 =	simm.s32 $0xFFFFFFFF;
	p2 =	slt.u32 s8, $0xFFFFF086  }
0x1c: {  	p1 =	slt.u32 s9, $0xF7A;
	s5 =	simm.s32 @!p2 $0x0  }
0x1d: {  	s5 =	simm.s32 @p1 $0x1;
	p0 =	seq.s32 s7, s2  }
0x1e: {  	s7 =	smul.u32 @!p0 $0xF7A, s2;
	p2 =	seq.s32 @!p0 s5, $0x0  }
0x1f: {  	s9 =	smul.u32 $0xF7A, s1;
	s8 =	simm.s32 @!p0 $0x1BF5;
	p2 =	por !p2, p0  }
0x20: {  	[sflag:s8] =	ssyncset.s32 @!p0 $0xFFFFF086;
	s6 =	sadd.s32 @!p0 s3, s7;
	s7 =	simm.s32 @!p0 $0x108  }
0x21: {  	s3 =	sadd.s32 s3, s9;
	s6 =	sadd.s32 @!p0 $0x88, s6;
	s7 =	simm.s32 @p2 $0x1082  }
0x22: {  	[simem:s7], [sflag:s8] =	dma.local @!p0 [hbm:s6], $0xF7A  }
0x23: {  	s9 =	sor.u32 $0xD0000000, s2;
	s6 =	simm.s32 $0x108;
	_ =	swait.ge @!p0 [sflag:s8], $0x0  }
0x24: {  	s3 =	sadd.s32 $0x88, s3;
	s6 =	simm.s32 @!p1 $0x1082;
	[sflag:s4] =	ssyncset.s32 $0xFFFFF086  }
0x25: {  	[simem:s6], [sflag:s4] =	dma.local [hbm:s3], $0xF7A  }
0x26: {  	[smem:$0x3F9F] =	sst s1;
	(tag) =	ssettag s2;
	_ =	strace s9  }
0x27: {  	s1 =	sld [smem:$0x3FAF]  }
0x28: {  	s2 =	sld [smem:$0x3FB0]  }
0x29: {  	s4 =	sld [smem:$0x3FB2]  }
0x2a: {  	p0 =	seq.s32 s5, $0x0;
	s5 =	sld [smem:$0x3FB3]  }
0x2b: {  	s6 =	sld [smem:$0x3FB4]  }
0x2c: {  	s7 =	sld [smem:$0x3FB5]  }
0x2d: {  	s3 =	simm.s32 $0x108;
	s8 =	sld [smem:$0x3FB6]  }
0x2e: {  	s3 =	simm.s32 @!p0 $0x1082;
	s9 =	sld [smem:$0x3FB7]  }
0x2f: {  	lr =	sadd.s32 s0, s3;
	s0 =	sld [smem:$0x3FAE]  }
0x30: {  	s3 =	sld [smem:$0x3FB1]  }
0x31: {  	[smem:$0x3FBA] =	sst s10  }
0x32: {  	s10 =	sld [smem:$0x3FB8];
	_ =	sdelay $0x3  }
0x33: {  	p0 =	seq.s32 s10, $0x1;
	s10 =	sld [smem:$0x3FBA];
	_ =	sdelay $0x3  }
0x34: {  	[smem:$0x3FBA] =	sst s10  }
0x35: {  	s10 =	sld [smem:$0x3FB9];
	_ =	sdelay $0x3  }
0x36: {  	p1 =	seq.s32 s10, $0x1;
	s10 =	sld [smem:$0x3FBA];
	_ =	sdelay $0x3  }
0x37: {  	[smem:$0x3FBA] =	sst s10  }
0x38: {  	s10 =	sld [smem:$0x3FBB]  }
0x39: {  	_ = 	snop;
	(pc) =	sbr.ind lr, $3  }
0x3a: {  	_ = 	snop  }
0x3b: {  	_ = 	snop  }
0x3c: {  	p2 =	seq.s32 s10, $0x1;
	s10 =	sld [smem:$0x3FBA]  }
0x3d: {  	_ =	shalt  }
0x3e: {  	_ =	shalt  }
0x3f: {  	_ =	shalt  }
0x40: {  	_ =	shalt  }
0x41: {  	_ =	shalt  }
0x42: {  	_ =	shalt  }
0x43: {  	_ =	shalt  }
0x44: {  	_ =	shalt  }
0x45: {  	_ =	shalt  }
0x46: {  	_ =	shalt  }
0x47: {  	_ =	shalt  }
0x48: {  	_ =	shalt  }
0x49: {  	_ =	shalt  }
0x4a: {  	_ =	shalt  }
0x4b: {  	_ =	shalt  }
0x4c: {  	_ =	shalt  }
0x4d: {  	_ =	shalt  }
0x4e: {  	_ =	shalt  }
0x4f: {  	_ =	shalt  }
0x50: {  	_ =	shalt  }
0x51: {  	_ =	shalt  }
0x52: {  	_ =	shalt  }
0x53: {  	_ =	shalt  }
0x54: {  	_ =	shalt  }
0x55: {  	_ =	shalt  }
0x56: {  	_ =	shalt  }
0x57: {  	_ =	shalt  }
0x58: {  	_ =	shalt  }
0x59: {  	_ =	shalt  }
0x5a: {  	_ =	shalt  }
0x5b: {  	_ =	shalt  }
0x5c: {  	_ =	shalt  }
0x5d: {  	_ =	shalt  }
0x5e: {  	_ =	shalt  }
0x5f: {  	_ =	shalt  }
0x60: {  	_ =	shalt  }
0x61: {  	_ =	shalt  }
0x62: {  	_ =	shalt  }
0x63: {  	_ =	shalt  }
0x64: {  	_ =	shalt  }
0x65: {  	_ =	shalt  }
0x66: {  	_ =	shalt  }
0x67: {  	_ =	shalt  }
0x68: {  	_ =	shalt  }
0x69: {  	_ =	shalt  }
0x6a: {  	_ =	shalt  }
0x6b: {  	_ =	shalt  }
0x6c: {  	_ =	shalt  }
0x6d: {  	_ =	shalt  }
0x6e: {  	_ =	shalt  }
0x6f: {  	_ =	shalt  }
0x70: {  	_ =	shalt  }
0x71: {  	_ =	shalt  }
0x72: {  	_ =	shalt  }
0x73: {  	_ =	shalt  }
0x74: {  	_ =	shalt  }
0x75: {  	_ =	shalt  }
0x76: {  	_ =	shalt  }
0x77: {  	_ =	shalt  }
0x78: {  	_ =	shalt  }
0x79: {  	_ =	shalt  }
0x7a: {  	_ =	shalt  }
0x7b: {  	_ =	shalt  }
0x7c: {  	_ =	shalt  }
0x7d: {  	_ =	shalt  }
0x7e: {  	_ =	shalt  }
0x7f: {  	_ =	shalt  }
0x80: {  	_ =	shalt  }
0x81: {  	_ =	shalt  }
0x82: {  	_ =	shalt  }
0x83: {  	_ =	shalt  }
0x84: {  	_ =	shalt  }
0x85: {  	_ =	shalt  }
0x86: {  	_ =	shalt  }
0x87: {  	_ =	shalt  }
.Lfunc_end0:
.L_simem_size_0:
called_computation_lowered:
.L_overlay_start_0:
0x88: {  	s2 =	sld [smem:$0x3FD9]  }
0x89: {  	s3 =	sld [smem:$0x3FFE];
	_ =	sdelay $0x1  }
0x8a: {  	s1 =	srdreg.scid  }
0x8b: {  	s0 =	sand.u32 $0x1, s1  }
0x8c: {  	s17 =	sshll.u32 s0, $0xA;
	s2 =	sadd.s32 s3, s2  }
0x8d: {  	s2 =	sadd.s32 s2, s17  }
0x8e: {  	[smem:$0x3FC6] =	sst s2  }
0x8f: {  	_ = 	snop  }
0x90: {  	s2 =	sld [smem:$0x3FD0];
	(tm) =	ssettm $0x1  }
0x91: {  	s18 =	sld [smem:$0x3FFB];
	_ =	sdelay $0x3  }
0x92: {  	_ =	strace s18  }
0x93: {  	s3 =	sld [smem:$0x3FFC];
	_ =	sdelay $0x3  }
0x94: {  	_ =	strace s3  }
0x95: {  	s3 =	sld [smem:$0x3FFD];
	_ =	sdelay $0x3  }
0x96: {  	_ =	strace s3  }
0x97: {  	_ =	strace $0x8FFFFFFF  }
0x98: {  	s19 =	sld [smem:$0x3FDB];
	_ =	sdelay $0x1  }
0x99: {  	s4 =	simm.s32 $_scs_section_size  }
0x9a: {  	s5 =	simm.s32 $_size__tile_overlayer_lowered;
	s6 =	simm.s32 $_tile_overlayer_lowered  }
0x9b: {  	s22 =	simm.s32 $0x1BFF;
	s21 =	sshll.u32 s6, $0x1;
	s3 =	sadd.s32 s4, s19  }
0x9c: {  	s7 =	simm.s32 $0x0;
	s20 =	sshll.u32 s5, $0x1;
	s5 =	sadd.s32 s21, s3  }
0x9d: {  	[timem:s7], [sflag:s22] =	dma.local [hbm:s5], s20  }
0x9e: {  	_ =	swait.ge [sflag:s22], s20  }
0x9f: {  	s4 =	ssub.s32 $0x0, s20;
	[sflag:s22] =	ssyncset.done $0x0  }
0xa0: {  	[sflag:s22] =	ssyncadd.s32 s4;
	_ =	sdelay $0x1  }
0xa1: {  	s23 =	simm.s32 $0x1B8B  }
0xa2: {  	_ =	swait.ge [sflag:s23], $0x1  }
0xa3: {  	[sflag:s23] =	ssyncset.done $0x0  }
0xa4: {  	s25 =	simm.s32 $0x1B8E;
	s24 =	sld [smem:$0x3FFE];
	[sflag:s23] =	ssyncadd.s32 $0xFFFFFFFF  }
0xa5: {  	s26 =	simm.s32 $execute0_lowered;
	[smem:$0x3FD2] =	sst s25  }
0xa6: {  	s5 =	sshll.u32 s26, $0x1;
	_ =	strace $0x80000046;
	[dreg:$0x1] =	wrdreg $0xFFFFFFFF  }
0xa7: {  	s28 =	simm.s32 $_size_execute0_lowered;
	s3 =	sadd.s32 s3, s5;
	[dreg:$0x0] =	wrdreg $0x0  }
0xa8: {  	s5 =	sshll.u32 s28, $0x1;
	[dreg:$0x2] =	wrdreg s3  }
0xa9: {  	[dreg:$0x3] =	wrdreg s5  }
0xaa: {  	[dreg:$0x4] =	wrdreg $0xC0  }
0xab: {  	_ =	task [dreg:s7], $0x5FFFF  }
0xac: {  	[dreg:$0x1] =	wrdreg $0xFFFFFFFF  }
0xad: {  	[dreg:$0x0] =	wrdreg $0x60  }
0xae: {  	[dreg:$0x2] =	wrdreg s24  }
0xaf: {  	[dreg:$0x3] =	wrdreg s2  }
0xb0: {  	[dreg:$0x4] =	wrdreg $0x9  }
0xb1: {  	_ =	task.clear_ibuf [dreg:s7], $0x5FFFF;
	_ =	strace $0x90000046  }
0xb2: {  	s29 =	simm.s32 $0x9;
	_ =	strace $0x80000048  }
0xb3: {  	_ =	swait.ge [sflag:s29], $0x1  }
0xb4: {  	[sflag:s29] =	ssyncadd.s32 $0xFFFFFFFF  }
0xb5: {  	_ =	strace $0x90000048  }
0xb6: {  	_ =	sfence  }
0xb7: {  	s30 =	sld [smem:$0x0];
	_ =	sdelay $0x2  }
0xb8: {  	s31 =	sshll.u32 s1, $0xD;
	s1 =	sshrl.u32 s1, $0x2  }
0xb9: {  	s3 =	sand.u32 $0x4000, s31;
	s1 =	sadd.s32 s1, s30  }
0xba: {  	s0 =	sor.u32 s3, s0;
	s1 =	sshll.u32 s1, $0x11  }
0xbb: {  	s0 =	sor.u32 s1, s0  }
0xbc: {  	s0 =	sadd.s32 $0x8F2B, s0  }
0xbd: {  	[sflag:s0] =	ssyncadd.remote.s32 $0x1  }
0xbe: {  	_ =	sfence.sel $0xFFFF  }
0xbf: {  	[dreg:$0x0] =	wrdreg $0xFFFFFFFF;
	(pc) =	sbr.abs _section_cstart, $3  }
0xc0: {  	[dreg:$0x1] =	wrdreg $0xFFFFFFFF  }
0xc1: {  	_ =	task.clear_ibuf [dreg:s7], $0x2FFFF;
	_ =	strace $0x9FFFFFFF  }
0xc2: {  	(tm) =	ssettm $0x7FFFFFFF  }
0xc3: {  	_ =	shalt  }
tec
execute0_lowered:
.L_overlay_start_1:
0x0: {  	(tag) =	ssettag $0x1  }
0x1: {  	s5 =	rddreg [dreg:$0x0]  }
0x2: {  	s2 =	rddreg [dreg:$0x1]  }
0x3: {  	s3 =	srdreg.scid;
	s0 =	stileid.u32;
	s9 =	simm.s32 $0x1900  }
0x4: {  	s10 =	simm.s32 $0x1;
	s11 =	simm.s32 $0x0;
	s6 =	sand.u32 $0x1, s3  }
0x5: {  	s3 =	simm.s32 $0x0;
	s4 =	sshll.u32 s0, $0x8;
	s7 =	sshll.u32 s6, $0x7  }
0x6: {  	[smem:$0x7FF] =	sst s3;
	s6 =	ssub.s32 $0x2, s6;
	s4 =	sor.u32 s7, s4  }
0x7: {  	_ =	strace $0x80000047;
	s8 =	sshrl.u32 s6, $0x1;
	s7 =	sshll.u32 s4, $0x4  }
0x8: {  	s8 =	ssub.s32 s6, s8;
	s7 =	sadd.s32 s7, s5;
	s5 =	sadd.s32 $0x400, s5  }
0x9: {  	v0 =	vimm.s32 $0x0;
	s6 =	sadd.s32 $0x800, s7;
	s7 =	smax.u32 s8, $0x1;
	s8 =	simm.s32 $0x2  }
.LBB2_1:
0xa: {  	[tilespmem:s3], [sflag:$0x2] =	stream.linear.gather [hbm4b:s5+s3], $0x1900, $0x38;
	[tilespmem:$0x1E900] =	vst v63  }
0xb: {  	_ =	swait.ge [sflag:s8], $0x1900  }
0xc: {  	[sflag:s8] =	ssyncset.done $0x0  }
0xd: {  	[sflag:s8] =	ssyncadd.s32 $0xFFFFE700  }
0xe: {  	[tilespmem:s9], [sflag:$0x2] =	stream.linear.gather [hbm4b:s6+s3], $0x4000, $0x38;
	[tilespmem:$0x1E900] =	vst v63  }
0xf: {  	_ =	swait.ge [sflag:s8], $0x4000  }
0x10: {  	[sflag:s8] =	ssyncset.done $0x0  }
0x11: {  	s12 =	simm.s32 $0x0;
	[sflag:s8] =	ssyncadd.s32 $0xFFFFC000  }
.LBB2_2:
0x12: {  	p0 =	slt.u32 s12, $0x2;
	s13 =	sshll.u32 s12, $0xA  }
0x13: {  	s16 =	simm.s32 @!p0 $0x1;
	s23 =	sand.u32 $0x3FFFFC00, s13  }
0x14: {  	s13 =	simm.s32 $0x0;
	_ =	swait.ge @!p0 [sflag:s16], $0xC800;
	s14 =	sadd.s32 $0x1900, s23  }
0x15: {  	s24 =	sand.u32 $0x78, s13;
	s15 =	sadd.s32 $0x1980, s23;
	s25 =	sand.u32 $0x7, s13  }
0x16: {  	s19 =	sadd.s32 $0x1B00, s23;
	[sflag:s16] =	ssyncset.done @!p0 $0x0;
	s17 =	sadd.s32 s24, s14  }
0x17: {  	s18 =	sadd.s32 s24, s15;
	[sflag:s16] =	ssyncadd.s32 @!p0 $0xFFFF3800;
	s17 =	sadd.s32 s25, s17  }
0x18: {  	s26 =	sadd.s32 s24, s19;
	s18 =	sadd.s32 s25, s18;
	v2 =	vld.msk [tilespmem:s17+$0x0], $0x1  }
0x19: {  	s16 =	sadd.s32 $0x1C00, s23;
	s26 =	sadd.s32 s25, s26;
	v3 =	vld.msk [tilespmem:s18+$0x0], $0x1  }
0x1a: {  	s28 =	sadd.s32 s24, s16;
	s18 =	simm.s32 $0x0;
	v10 =	vld.msk [tilespmem:s26+$0x0], $0x1  }
0x1b: {  	s29 =	sand.u32 $0x1, s12;
	s17 =	sadd.s32 s25, s28;
	v5 =	vld [tilespmem:s18+$0x0]  }
0x1c: {  	p0 =	seq.s32 s29, $0x1;
	v4 =	vld.msk [tilespmem:s17+$0x0], $0x1;
	s17 =	simm.s32 $0x12100  }
0x1d: {  	s20 =	sadd.s32 $0x1B80, s23;
	s21 =	sadd.s32 $0x1C80, s23;
	v7 =	vld [tilespmem:s18+$0x10];
	s17 =	simm.s32 @!p0 $0x5900  }
0x1e: {  	s22 =	sadd.s32 s24, s20;
	s29 =	sadd.s32 s24, s21;
	v8 =	vld [tilespmem:s18+$0x20];
	v1 =	vmov s17  }
0x1f: {  	s29 =	sadd.s32 s25, s29;
	v6 =	vld [tilespmem:s18+$0x30];
	s28 =	sadd.s32 s25, s22;
	s22 =	sadd.s32 $0x1A00, s23;
	v2 =	vperm.xlane v2, v0  }
0x20: {  	s23 =	sadd.s32 $0x1A80, s23;
	v11 =	vld.msk [tilespmem:s29+$0x0], $0x1;
	s30 =	sadd.s32 s24, s22  }
0x21: {  	v9 =	vld.msk [tilespmem:s28+$0x0], $0x1;
	s24 =	sadd.s32 s24, s23;
	s31 =	sadd.s32 s25, s30;
	v13 =	vmul.f32 v2, v5  }
0x22: {  	s24 =	sadd.s32 s25, s24;
	v12 =	vld.msk [tilespmem:s31+$0x0], $0x1;
	v14 =	vmul.f32 v2, v7  }
0x23: {  	v15 =	vld.msk [tilespmem:s24+$0x0], $0x1;
	v3 =	vperm.xlane v3, v0;
	v16 =	vmul.f32 v2, v8;
	[tilespmem:v1+s18+$0x0 ss:$0x1] =	vst.idx.msk $0xffff, v13  }
0x24: {  	v2 =	vmul.f32 v2, v6;
	[tilespmem:v1+s18+$0x10 ss:$0x1] =	vst.idx.msk $0xffff, v14  }
0x25: {  	v49 =	vmul.f32 v3, v5;
	[tilespmem:v1+s18+$0x20 ss:$0x1] =	vst.idx.msk $0xffff, v16  }
0x26: {  	v50 =	vmul.f32 v3, v7;
	[tilespmem:v1+s18+$0x30 ss:$0x1] =	vst.idx.msk $0xffff, v2  }
0x27: {  	v51 =	vmul.f32 v3, v8;
	v2 =	vperm.xlane v12, v0;
	[tilespmem:v1+s18+$0x1900 ss:$0x1] =	vst.idx.msk $0xffff, v49  }
0x28: {  	v3 =	vmul.f32 v3, v6;
	[tilespmem:v1+s18+$0x1910 ss:$0x1] =	vst.idx.msk $0xffff, v50  }
0x29: {  	v52 =	vmul.f32 v2, v5;
	[tilespmem:v1+s18+$0x1920 ss:$0x1] =	vst.idx.msk $0xffff, v51  }
0x2a: {  	v53 =	vmul.f32 v2, v7;
	[tilespmem:v1+s18+$0x1930 ss:$0x1] =	vst.idx.msk $0xffff, v3  }
0x2b: {  	v54 =	vperm.xlane v15, v0;
	v3 =	vmul.f32 v2, v8;
	[tilespmem:v1+s18+$0x3200 ss:$0x1] =	vst.idx.msk $0xffff, v52  }
0x2c: {  	v2 =	vmul.f32 v2, v6;
	[tilespmem:v1+s18+$0x3210 ss:$0x1] =	vst.idx.msk $0xffff, v53  }
0x2d: {  	v55 =	vmul.f32 v54, v5;
	[tilespmem:v1+s18+$0x3220 ss:$0x1] =	vst.idx.msk $0xffff, v3  }
0x2e: {  	v3 =	vmul.f32 v54, v7;
	[tilespmem:v1+s18+$0x3230 ss:$0x1] =	vst.idx.msk $0xffff, v2  }
0x2f: {  	v56 =	vmul.f32 v54, v8;
	v2 =	vperm.xlane v10, v0;
	[tilespmem:v1+s18+$0x4B00 ss:$0x1] =	vst.idx.msk $0xffff, v55  }
0x30: {  	v57 =	vmul.f32 v54, v6;
	[tilespmem:v1+s18+$0x4B10 ss:$0x1] =	vst.idx.msk $0xffff, v3  }
0x31: {  	v3 =	vmul.f32 v2, v5;
	[tilespmem:v1+s18+$0x4B20 ss:$0x1] =	vst.idx.msk $0xffff, v56  }
0x32: {  	v58 =	vmul.f32 v2, v7;
	[tilespmem:v1+s18+$0x4B30 ss:$0x1] =	vst.idx.msk $0xffff, v57  }
0x33: {  	v9 =	vperm.xlane v9, v0;
	v59 =	vmul.f32 v2, v8;
	[tilespmem:v1+s18+$0x6400 ss:$0x1] =	vst.idx.msk $0xffff, v3  }
0x34: {  	v2 =	vmul.f32 v2, v6;
	[tilespmem:v1+s18+$0x6410 ss:$0x1] =	vst.idx.msk $0xffff, v58  }
0x35: {  	v3 =	vmul.f32 v9, v5;
	[tilespmem:v1+s18+$0x6420 ss:$0x1] =	vst.idx.msk $0xffff, v59  }
0x36: {  	v60 =	vmul.f32 v9, v7;
	[tilespmem:v1+s18+$0x6430 ss:$0x1] =	vst.idx.msk $0xffff, v2  }
0x37: {  	v2 =	vperm.xlane v4, v0;
	v4 =	vmul.f32 v9, v8;
	[tilespmem:v1+s18+$0x7D00 ss:$0x1] =	vst.idx.msk $0xffff, v3  }
0x38: {  	v3 =	vmul.f32 v9, v6;
	[tilespmem:v1+s18+$0x7D10 ss:$0x1] =	vst.idx.msk $0xffff, v60  }
0x39: {  	v61 =	vmul.f32 v2, v5;
	[tilespmem:v1+s18+$0x7D20 ss:$0x1] =	vst.idx.msk $0xffff, v4  }
0x3a: {  	v4 =	vmul.f32 v2, v7;
	[tilespmem:v1+s18+$0x7D30 ss:$0x1] =	vst.idx.msk $0xffff, v3  }
0x3b: {  	v62 =	vperm.xlane v11, v0;
	v3 =	vmul.f32 v2, v8;
	[tilespmem:v1+s18+$0x9600 ss:$0x1] =	vst.idx.msk $0xffff, v61  }
0x3c: {  	v63 =	vmul.f32 v2, v6;
	[tilespmem:v1+s18+$0x9610 ss:$0x1] =	vst.idx.msk $0xffff, v4  }
0x3d: {  	v5 =	vmul.f32 v62, v5;
	v2 =	vmul.f32 v62, v6;
	[tilespmem:v1+s18+$0x9620 ss:$0x1] =	vst.idx.msk $0xffff, v3  }
0x3e: {  	s24 =	simm.s32 $0x100;
	v4 =	vmul.f32 v62, v7;
	v3 =	vmul.f32 v62, v8;
	[tilespmem:v1+s18+$0x9630 ss:$0x1] =	vst.idx.msk $0xffff, v63  }
.LBB2_3:
0x3f: {  	p0 =	sne.s32 s24, $0x6300  }
0x40: {  	[tilespmem:v1+s18+$0xAF00 ss:$0x1] =	vst.idx.msk $0xffff, v5;
	s13 =	sadd.s32 $0x1, s13;
	s25 =	smov.u32 s24;
	s24 =	sadd.s32 $0x100, s24  }
0x41: {  	s26 =	sand.u32 $0x78, s13;
	[tilespmem:v1+s18+$0xAF10 ss:$0x1] =	vst.idx.msk $0xffff, v4  }
0x42: {  	s28 =	sand.u32 $0x7, s13;
	s29 =	sadd.s32 s26, s14;
	s30 =	sadd.s32 s26, s15;
	[tilespmem:v1+s18+$0xAF20 ss:$0x1] =	vst.idx.msk $0xffff, v3  }
0x43: {  	s31 =	sadd.s32 s26, s22;
	s29 =	sadd.s32 s28, s29;
	s30 =	sadd.s32 s28, s30;
	[tilespmem:v1+s18+$0xAF30 ss:$0x1] =	vst.idx.msk $0xffff, v2  }
0x44: {  	s0 =	sadd.s32 s26, s20;
	s18 =	sadd.s32 s26, s23;
	v2 =	vld.msk [tilespmem:s29+$0x0], $0x1;
	s29 =	sadd.s32 s26, s19  }
0x45: {  	s1 =	sadd.s32 s26, s16;
	v3 =	vld.msk [tilespmem:s30+$0x0], $0x1;
	s30 =	sadd.s32 s28, s18;
	s18 =	sshra.s32 s25, $0x2  }
0x46: {  	s0 =	sadd.s32 s28, s0;
	s1 =	sadd.s32 s28, s1;
	s25 =	sadd.s32 s28, s31;
	v6 =	vld [tilespmem:s18+$0x30]  }
0x47: {  	s29 =	sadd.s32 s28, s29;
	v4 =	vld.msk [tilespmem:s1+$0x0], $0x1;
	s1 =	sadd.s32 s26, s21  }
0x48: {  	s1 =	sadd.s32 s28, s1;
	v7 =	vld [tilespmem:s18+$0x10]  }
0x49: {  	v5 =	vld [tilespmem:s18+$0x0]  }
0x4a: {  	v8 =	vld [tilespmem:s18+$0x20]  }
0x4b: {  	v2 =	vperm.xlane v2, v0;
	v9 =	vld.msk [tilespmem:s0+$0x0], $0x1  }
0x4c: {  	v10 =	vld.msk [tilespmem:s29+$0x0], $0x1;
	v11 =	vperm.xlane v4, v0  }
0x4d: {  	v12 =	vmul.f32 v2, v6;
	v4 =	vld.msk [tilespmem:s1+$0x0], $0x1  }
0x4e: {  	v15 =	vmul.f32 v2, v7;
	v13 =	vld.msk [tilespmem:s25+$0x0], $0x1;
	v14 =	vmul.f32 v2, v5  }
0x4f: {  	v3 =	vperm.xlane v3, v0;
	v16 =	vld.msk [tilespmem:s30+$0x0], $0x1;
	v2 =	vmul.f32 v2, v8  }
0x50: {  	v17 =	vmul.f32 v11, v5;
	v9 =	vperm.xlane v9, v0;
	[tilespmem:v1+s18+$0x0 ss:$0x1] =	vst.idx.msk $0xffff, v14  }
0x51: {  	v18 =	vmul.f32 v3, v7;
	v14 =	vmul.f32 v3, v5;
	[tilespmem:v1+s18+$0x10 ss:$0x1] =	vst.idx.msk $0xffff, v15  }
0x52: {  	v10 =	vperm.xlane v10, v0;
	v15 =	vmul.f32 v3, v6;
	[tilespmem:v1+s18+$0x20 ss:$0x1] =	vst.idx.msk $0xffff, v2  }
0x53: {  	v3 =	vmul.f32 v3, v8;
	v2 =	vperm.xlane v13, v0;
	[tilespmem:v1+s18+$0x30 ss:$0x1] =	vst.idx.msk $0xffff, v12  }
0x54: {  	v12 =	vmul.f32 v10, v5;
	v13 =	vmul.f32 v10, v7;
	[tilespmem:v1+s18+$0x1900 ss:$0x1] =	vst.idx.msk $0xffff, v14  }
0x55: {  	v14 =	vmul.f32 v2, v5;
	v19 =	vmul.f32 v2, v8;
	[tilespmem:v1+s18+$0x1910 ss:$0x1] =	vst.idx.msk $0xffff, v18  }
0x56: {  	v18 =	vmul.f32 v2, v7;
	v2 =	vmul.f32 v2, v6;
	[tilespmem:v1+s18+$0x1920 ss:$0x1] =	vst.idx.msk $0xffff, v3  }
0x57: {  	v3 =	vperm.xlane v16, v0;
	v16 =	vmul.f32 v10, v8;
	[tilespmem:v1+s18+$0x1930 ss:$0x1] =	vst.idx.msk $0xffff, v15  }
0x58: {  	v10 =	vmul.f32 v10, v6;
	v15 =	vmul.f32 v9, v5;
	[tilespmem:v1+s18+$0x3200 ss:$0x1] =	vst.idx.msk $0xffff, v14  }
0x59: {  	v14 =	vmul.f32 v3, v5;
	v20 =	vmul.f32 v3, v8;
	[tilespmem:v1+s18+$0x3210 ss:$0x1] =	vst.idx.msk $0xffff, v18  }
0x5a: {  	v21 =	vmul.f32 v3, v6;
	v18 =	vmul.f32 v3, v7;
	[tilespmem:v1+s18+$0x3220 ss:$0x1] =	vst.idx.msk $0xffff, v19  }
0x5b: {  	v22 =	vmul.f32 v9, v8;
	v19 =	vmul.f32 v9, v7;
	[tilespmem:v1+s18+$0x3230 ss:$0x1] =	vst.idx.msk $0xffff, v2  }
0x5c: {  	v9 =	vmul.f32 v9, v6;
	v2 =	vperm.xlane v4, v0;
	[tilespmem:v1+s18+$0x4B00 ss:$0x1] =	vst.idx.msk $0xffff, v14  }
0x5d: {  	v23 =	vmul.f32 v11, v8;
	v14 =	vmul.f32 v11, v7;
	[tilespmem:v1+s18+$0x4B10 ss:$0x1] =	vst.idx.msk $0xffff, v18  }
0x5e: {  	v5 =	vmul.f32 v2, v5;
	v4 =	vmul.f32 v2, v7;
	[tilespmem:v1+s18+$0x4B20 ss:$0x1] =	vst.idx.msk $0xffff, v20  }
0x5f: {  	v3 =	vmul.f32 v2, v8;
	v2 =	vmul.f32 v2, v6;
	[tilespmem:v1+s18+$0x4B30 ss:$0x1] =	vst.idx.msk $0xffff, v21  }
0x60: {  	v6 =	vmul.f32 v11, v6;
	[tilespmem:v1+s18+$0x6400 ss:$0x1] =	vst.idx.msk $0xffff, v12  }
0x61: {  	[tilespmem:v1+s18+$0x6410 ss:$0x1] =	vst.idx.msk $0xffff, v13  }
0x62: {  	[tilespmem:v1+s18+$0x6420 ss:$0x1] =	vst.idx.msk $0xffff, v16  }
0x63: {  	[tilespmem:v1+s18+$0x6430 ss:$0x1] =	vst.idx.msk $0xffff, v10  }
0x64: {  	[tilespmem:v1+s18+$0x7D00 ss:$0x1] =	vst.idx.msk $0xffff, v15  }
0x65: {  	[tilespmem:v1+s18+$0x7D10 ss:$0x1] =	vst.idx.msk $0xffff, v19  }
0x66: {  	[tilespmem:v1+s18+$0x7D20 ss:$0x1] =	vst.idx.msk $0xffff, v22  }
.Ltmp0:
0x67: {  	[tilespmem:v1+s18+$0x7D30 ss:$0x1] =	vst.idx.msk $0xffff, v9;
	(pc) =	sbr.rel @p0 .LBB2_3-.Ltmp0, $4  }
0x68: {  	[tilespmem:v1+s18+$0x9600 ss:$0x1] =	vst.idx.msk $0xffff, v17  }
0x69: {  	[tilespmem:v1+s18+$0x9610 ss:$0x1] =	vst.idx.msk $0xffff, v14  }
0x6a: {  	[tilespmem:v1+s18+$0x9620 ss:$0x1] =	vst.idx.msk $0xffff, v23  }
0x6b: {  	[tilespmem:v1+s18+$0x9630 ss:$0x1] =	vst.idx.msk $0xffff, v6  }
0x6c: {  	_ =	sdelay $0x1  }
0x6d: {  	s0 =	sshll.u32 s12, $0x3;
	s12 =	sadd.s32 $0x1, s12  }
0x6e: {  	p0 =	sne.s32 s12, $0x10  }
.Ltmp1:
0x6f: {  	[tilespmem:v1+s18+$0xAF00 ss:$0x1] =	vst.idx.msk $0xffff, v5;
	s0 =	sadd.s32 s4, s0;
	(pc) =	sbr.rel @p0 .LBB2_2-.Ltmp1, $4  }
0x70: {  	[tilespmem:v1+s18+$0xAF10 ss:$0x1] =	vst.idx.msk $0xffff, v4;
	s0 =	smul.u32 $0x320, s0  }
0x71: {  	[tilespmem:v1+s18+$0xAF20 ss:$0x1] =	vst.idx.msk $0xffff, v3  }
0x72: {  	[tilespmem:v1+s18+$0xAF30 ss:$0x1] =	vst.idx.msk $0xffff, v2;
	s0 =	sadd.s32 s2, s0  }
0x73: {  	[hbm4b:s0+s3] =	stream.linear.scatter [tilespmem:s17], [sflag:$0x1], $0xC800, $0x38;
	[tilespmem:$0x1E900] =	vst v63  }
0x74: {  	s11 =	sadd.s32 $0x1, s11  }
0x75: {  	_ =	swait.ge [sflag:s10], $0xC800;
	p0 =	sne.s32 s11, s7  }
.Ltmp2:
0x76: {  	[sflag:s10] =	ssyncset.done $0x0;
	(pc) =	sbr.rel @p0 .LBB2_1-.Ltmp2, $4  }
0x77: {  	[sflag:s10] =	ssyncadd.s32 $0xFFFF3800  }
0x78: {  	_ =	swait.ge [sflag:s10], $0xC800  }
0x79: {  	[sflag:s10] =	ssyncset.done $0x0  }
0x7a: {  	[sflag:s10] =	ssyncadd.s32 $0xFFFF3800  }
0x7b: {  	_ =	sfence.sel $0x180000  }
0x7c: {  	[bflag:$0x0] =	sbarrier.arrive $0xFFFF  }
0x7d: {  	_ =	strace $0x90000047  }
0x7e: {  	s0 =	stileid.u32;
	[bflag:$0x2] =	sbarrier.arrive $0xFFFF  }
0x7f: {  	p0 =	sne.s32 s0, $0x0;
	s0 =	rddreg [dreg:$0x2]  }
0x80: {  	s0 =	sadd.s32 @!p0 $0x100000, s0  }
0x81: {  	[sflag:s0] =	ssyncadd.tile.s32 @!p0 $0x1;
	_ =	shalt  }
.Lfunc_end2:
_tile_overlayer_lowered:
.L_overlay_start_2:
0x82: {  	(tag) =	ssettag $0x2  }
0x83: {  	s0 =	rddreg [dreg:$0x0];
	s2 =	stileid.u32  }
0x84: {  	s1 =	rddreg [dreg:$0x1];
	p0 =	sne.s32 s2, $0x0  }
0x85: {  	s3 =	rddreg [dreg:$0x2];
	[bflag:$0x3] =	sbarrier.arrive $0xFFFF;
	s2 =	simm.s32 @!p0 $0x1C02  }
0x86: {  	[timem:s3], [sflag:s2] =	dma.local @!p0 [hbm:s0], s1  }
0x87: {  	s0 =	simm.s32 @!p0 $0x2  }
0x88: {  	_ =	swait.ge @!p0 [sflag:s0], s1  }
0x89: {  	s1 =	ssub.s32 @!p0 $0x0, s1;
	[sflag:s0] =	ssyncset.done @!p0 $0x0  }
0x8a: {  	[sflag:s0] =	ssyncadd.s32 @!p0 s1  }
0x8b: {  	[bflag:$0x3] =	sbarrier.arrive $0xFFFF  }
0x8c: {  	_ =	shalt  }

</sc_bundles>
